<compile_context>
chip_gen: v7x
topology: tpu7x:2x2x1
jax: 0.10.2.dev20260603
libtpu: 0.0.44.dev20260713+nightly
codegen_flags: <defaults>
</compile_context>

<pallas_src>
import functools

import jax
import jax.numpy as jnp
from jax import lax
from jax.experimental import pallas as pl
from jax.experimental.pallas import tpu as pltpu
from jax.experimental.pallas import tpu_sc as plsc

N_WORKERS = 32
LANES = 16


def _node_scores_body(x_ref, w_ref, o_ref):
    o_ref[...] = jnp.dot(x_ref[...], w_ref[...],
                         preferred_element_type=jnp.float32)


def _edge_scores_body(e0_ref, e1_ref, e2_ref, e3_ref, w_ref, b_ref,
                      o0_ref, o1_ref, o2_ref, o3_ref):
    w = w_ref[...]
    bb = b_ref[...]
    o0_ref[...] = jnp.dot(e0_ref[0], w, preferred_element_type=jnp.float32) + bb
    o1_ref[...] = jnp.dot(e1_ref[0], w, preferred_element_type=jnp.float32) + bb
    o2_ref[...] = jnp.dot(e2_ref[0], w, preferred_element_type=jnp.float32) + bb
    o3_ref[...] = jnp.dot(e3_ref[0], w, preferred_element_type=jnp.float32) + bb


def _make_sc_gather(e_pad, n_tab):
    chunk = e_pad // N_WORKERS
    iters = chunk // LANES
    mesh = plsc.VectorSubcoreMesh(core_axis_name="c", subcore_axis_name="s")

    @functools.partial(
        pl.kernel,
        mesh=mesh,
        out_type=jax.ShapeDtypeStruct((e_pad,), jnp.float32),
        scratch_types=[
            pltpu.VMEM((n_tab,), jnp.float32),
            pltpu.VMEM((chunk,), jnp.int32),
            pltpu.VMEM((chunk,), jnp.int32),
            pltpu.VMEM((chunk,), jnp.float32),
            pltpu.VMEM((chunk,), jnp.float32),
        ],
        compiler_params=pltpu.CompilerParams(needs_layout_passes=False),
    )
    def sc_gather(tab_hbm, row_hbm, col_hbm, es_hbm, out_hbm,
                  tab_v, row_v, col_v, es_v, out_v):
        wid = lax.axis_index("s") * 2 + lax.axis_index("c")
        base = wid * chunk
        pltpu.sync_copy(tab_hbm, tab_v)
        pltpu.sync_copy(row_hbm.at[pl.ds(base, chunk)], row_v)
        pltpu.sync_copy(col_hbm.at[pl.ds(base, chunk)], col_v)
        pltpu.sync_copy(es_hbm.at[pl.ds(base, chunk)], es_v)

        def body(i, carry):
            off = i * LANES
            ir = row_v[pl.ds(off, LANES)]
            ic = col_v[pl.ds(off, LANES)]
            g_r = plsc.load_gather(tab_v, [ir * 2])
            g_c = plsc.load_gather(tab_v, [ic * 2 + 1])
            out_v[pl.ds(off, LANES)] = g_r + g_c + es_v[pl.ds(off, LANES)]
            return carry

        lax.fori_loop(0, iters, body, 0)
        pltpu.sync_copy(out_v, out_hbm.at[pl.ds(base, chunk)])

    return sc_gather


def kernel(x_embeddings, edge_embeddings, edge_index, W, b):
    n, h = x_embeddings.shape
    e = edge_embeddings.shape[0]

    row = edge_index[0].astype(jnp.int32)
    col = edge_index[1].astype(jnp.int32)
    w12 = jnp.concatenate([W[:h], W[h:2 * h]], axis=1)
    w3 = W[2 * h:]
    b2 = b.reshape(1, 1)

    n_blk = 2000
    ns2d = pl.pallas_call(
        _node_scores_body,
        grid=(n // n_blk,),
        in_specs=[
            pl.BlockSpec((n_blk, h), lambda i: (i, 0)),
            pl.BlockSpec((h, 2), lambda i: (0, 0)),
        ],
        out_specs=pl.BlockSpec((n_blk, 2), lambda i: (i, 0)),
        out_shape=jax.ShapeDtypeStruct((n, 2), jnp.float32),
    )(x_embeddings, w12)
    tab = ns2d.reshape(n * 2)

    e_pad = -(-e // 2560) * 2560
    n_str = 4
    q = e // n_str
    e_blk = 2000
    e4 = edge_embeddings.reshape(n_str, q, h)

    def _in_map(s):
        return lambda i, s=s: (s, i, 0)

    def _out_map():
        return lambda i: (i, 0)

    es_parts = pl.pallas_call(
        _edge_scores_body,
        grid=(q // e_blk,),
        in_specs=[pl.BlockSpec((1, e_blk, h), _in_map(s)) for s in range(n_str)]
        + [
            pl.BlockSpec((h, 1), lambda i: (0, 0)),
            pl.BlockSpec((1, 1), lambda i: (0, 0)),
        ],
        out_specs=[pl.BlockSpec((e_blk, 1), _out_map()) for _ in range(n_str)],
        out_shape=[jax.ShapeDtypeStruct((q, 1), jnp.float32)
                   for _ in range(n_str)],
    )(e4, e4, e4, e4, w3, b2)

    pad = e_pad - e
    es = jnp.concatenate([p.reshape(q) for p in es_parts]
                         + [jnp.zeros((pad,), jnp.float32)])

    zpad = jnp.zeros((pad,), jnp.int32)
    row_p = jnp.concatenate([row, zpad])
    col_p = jnp.concatenate([col, zpad])

    out_p = _make_sc_gather(e_pad, n * 2)(tab, row_p, col_p, es)
    return out_p[:e]

# --- scband reference (transcript-rebuilt; emitter-appended) ---
"""Pipeline reference for scband-gcnconv-decoder-9620726743389 (READ-ONLY COPY).

The authoritative reference and input builder live on the scoring server;
editing this copy changes nothing except your own understanding.
"""

import jax, jax.numpy as jnp
import numpy as np

N_NODES = 10000
N_EDGES = 160000
HIDDEN = 256


def setup_inputs(seed: int = 0) -> dict:
    key = jax.random.key(seed)
    k1, k2, k3, k4, k5 = jax.random.split(key, 5)
    x_embeddings = jax.random.normal(k1, (N_NODES, HIDDEN), dtype=jnp.float32)
    edge_embeddings = jax.random.normal(k2, (N_EDGES, HIDDEN), dtype=jnp.float32)
    edge_index = jax.random.randint(k3, (2, N_EDGES), 0, N_NODES, dtype=jnp.int64)
    # nn.Linear(hidden_dim * 3, 1): weight [1, 3H], bias [1]. Store transposed for matmul.
    fan_in = HIDDEN * 3
    bound = 1.0 / np.sqrt(fan_in)
    W = jax.random.uniform(k4, (fan_in, 1), minval=-bound, maxval=bound, dtype=jnp.float32)
    b = jax.random.uniform(k5, (1,), minval=-bound, maxval=bound, dtype=jnp.float32)
    return {"x_embeddings": x_embeddings, "edge_embeddings": edge_embeddings,
            "edge_index": edge_index, "W": W, "b": b}


def reference(x_embeddings, edge_embeddings, edge_index, W, b):
    row = edge_index[0]
    col = edge_index[1]
    embedded_node_features = jnp.concatenate(
        [jnp.take(x_embeddings, row, axis=0), jnp.take(x_embeddings, col, axis=0)], axis=1)
    edge_features = jnp.concatenate([embedded_node_features, edge_embeddings], axis=1)
    edge_output = edge_features @ W + b
    return jnp.squeeze(edge_output, axis=-1)

if __name__ == "__main__":
    import jax
    _d = setup_inputs()
    print(jax.jit(kernel)(*tuple(_d.values())))

</pallas_src>

<mosaic_0001>
#map = affine_map<(d0, d1) -> (0)>
module attributes {stable_mosaic.version = 14 : i64} {
  func.func @sc_gather(%arg0: i32, %arg1: i32, %arg2: memref<20000xf32, #tpu.memory_space<hbm>>, %arg3: memref<161280xi32, #tpu.memory_space<hbm>>, %arg4: memref<161280xi32, #tpu.memory_space<hbm>>, %arg5: memref<161280xf32, #tpu.memory_space<hbm>>, %arg6: memref<161280xf32, #tpu.memory_space<hbm>>, %arg7: memref<20000xf32, #tpu.memory_space<vmem>>, %arg8: memref<5040xi32, #tpu.memory_space<vmem>>, %arg9: memref<5040xi32, #tpu.memory_space<vmem>>, %arg10: memref<5040xf32, #tpu.memory_space<vmem>>, %arg11: memref<5040xf32, #tpu.memory_space<vmem>>) attributes {dimension_semantics = [#tpu.dimension_semantics<core_parallel>, #tpu.dimension_semantics<subcore_parallel>], iteration_bounds = array<i64: 2, 16>, scalar_prefetch = 0 : i64, scratch_operands = 5 : i64, tpu.core_type = #tpu.core_type<sc_vector_subcore>, window_params = [{transform_indices = #map}, {transform_indices = #map}, {transform_indices = #map}, {transform_indices = #map}, {transform_indices = #map}]} {
    %mul3A = arith.constant 2 : i32
    %mul3A_0 = arith.muli %arg1, %mul3A : i32
    %add3A = arith.addi %mul3A_0, %arg0 : i32
    %mul3A_1 = arith.constant 5040 : i32
    %mul3A_2 = arith.muli %add3A, %mul3A_1 : i32
    "tpu.region"() ({
      %run_scoped3A = tpu.sem_alloc : memref<!tpu.dma_semaphore, #tpu.memory_space<semaphore_mem>>
      tpu.enqueue_dma source(%arg2 : memref<20000xf32, #tpu.memory_space<hbm>>) target(%arg7 : memref<20000xf32, #tpu.memory_space<vmem>>) target_semaphore(%run_scoped3A : memref<!tpu.dma_semaphore, #tpu.memory_space<semaphore_mem>>)
      tpu.wait_dma2 semaphore(%run_scoped3A : memref<!tpu.dma_semaphore, #tpu.memory_space<semaphore_mem>>) src(%arg2 : memref<20000xf32, #tpu.memory_space<hbm>>) dst(%arg7 : memref<20000xf32, #tpu.memory_space<vmem>>)
      tpu.yield
    }) : () -> ()
    "tpu.region"() ({
      %run_scoped3A = tpu.sem_alloc : memref<!tpu.dma_semaphore, #tpu.memory_space<semaphore_mem>>
      %dma_start3A = tpu.memref_slice %arg3[%mul3A_2] : memref<161280xi32, #tpu.memory_space<hbm>> -> memref<5040xi32, #tpu.memory_space<hbm>>
      %dma_start3A_8 = tpu.memref_slice %arg3[%mul3A_2] : memref<161280xi32, #tpu.memory_space<hbm>> -> memref<5040xi32, #tpu.memory_space<hbm>>
      tpu.enqueue_dma source(%dma_start3A_8 : memref<5040xi32, #tpu.memory_space<hbm>>) target(%arg8 : memref<5040xi32, #tpu.memory_space<vmem>>) target_semaphore(%run_scoped3A : memref<!tpu.dma_semaphore, #tpu.memory_space<semaphore_mem>>)
      %dma_wait3A = tpu.memref_slice %arg3[%mul3A_2] : memref<161280xi32, #tpu.memory_space<hbm>> -> memref<5040xi32, #tpu.memory_space<hbm>>
      %dma_wait3A_9 = tpu.memref_slice %arg3[%mul3A_2] : memref<161280xi32, #tpu.memory_space<hbm>> -> memref<5040xi32, #tpu.memory_space<hbm>>
      tpu.wait_dma2 semaphore(%run_scoped3A : memref<!tpu.dma_semaphore, #tpu.memory_space<semaphore_mem>>) src(%dma_wait3A_9 : memref<5040xi32, #tpu.memory_space<hbm>>) dst(%arg8 : memref<5040xi32, #tpu.memory_space<vmem>>)
      tpu.yield
    }) : () -> ()
    "tpu.region"() ({
      %run_scoped3A = tpu.sem_alloc : memref<!tpu.dma_semaphore, #tpu.memory_space<semaphore_mem>>
      %dma_start3A = tpu.memref_slice %arg4[%mul3A_2] : memref<161280xi32, #tpu.memory_space<hbm>> -> memref<5040xi32, #tpu.memory_space<hbm>>
      %dma_start3A_8 = tpu.memref_slice %arg4[%mul3A_2] : memref<161280xi32, #tpu.memory_space<hbm>> -> memref<5040xi32, #tpu.memory_space<hbm>>
      tpu.enqueue_dma source(%dma_start3A_8 : memref<5040xi32, #tpu.memory_space<hbm>>) target(%arg9 : memref<5040xi32, #tpu.memory_space<vmem>>) target_semaphore(%run_scoped3A : memref<!tpu.dma_semaphore, #tpu.memory_space<semaphore_mem>>)
      %dma_wait3A = tpu.memref_slice %arg4[%mul3A_2] : memref<161280xi32, #tpu.memory_space<hbm>> -> memref<5040xi32, #tpu.memory_space<hbm>>
      %dma_wait3A_9 = tpu.memref_slice %arg4[%mul3A_2] : memref<161280xi32, #tpu.memory_space<hbm>> -> memref<5040xi32, #tpu.memory_space<hbm>>
      tpu.wait_dma2 semaphore(%run_scoped3A : memref<!tpu.dma_semaphore, #tpu.memory_space<semaphore_mem>>) src(%dma_wait3A_9 : memref<5040xi32, #tpu.memory_space<hbm>>) dst(%arg9 : memref<5040xi32, #tpu.memory_space<vmem>>)
      tpu.yield
    }) : () -> ()
    "tpu.region"() ({
      %run_scoped3A = tpu.sem_alloc : memref<!tpu.dma_semaphore, #tpu.memory_space<semaphore_mem>>
      %dma_start3A = tpu.memref_slice %arg5[%mul3A_2] : memref<161280xf32, #tpu.memory_space<hbm>> -> memref<5040xf32, #tpu.memory_space<hbm>>
      %dma_start3A_8 = tpu.memref_slice %arg5[%mul3A_2] : memref<161280xf32, #tpu.memory_space<hbm>> -> memref<5040xf32, #tpu.memory_space<hbm>>
      tpu.enqueue_dma source(%dma_start3A_8 : memref<5040xf32, #tpu.memory_space<hbm>>) target(%arg10 : memref<5040xf32, #tpu.memory_space<vmem>>) target_semaphore(%run_scoped3A : memref<!tpu.dma_semaphore, #tpu.memory_space<semaphore_mem>>)
      %dma_wait3A = tpu.memref_slice %arg5[%mul3A_2] : memref<161280xf32, #tpu.memory_space<hbm>> -> memref<5040xf32, #tpu.memory_space<hbm>>
      %dma_wait3A_9 = tpu.memref_slice %arg5[%mul3A_2] : memref<161280xf32, #tpu.memory_space<hbm>> -> memref<5040xf32, #tpu.memory_space<hbm>>
      tpu.wait_dma2 semaphore(%run_scoped3A : memref<!tpu.dma_semaphore, #tpu.memory_space<semaphore_mem>>) src(%dma_wait3A_9 : memref<5040xf32, #tpu.memory_space<hbm>>) dst(%arg10 : memref<5040xf32, #tpu.memory_space<vmem>>)
      tpu.yield
    }) : () -> ()
    %scan3A = arith.constant 0 : i32
    %scan3A_3 = arith.constant 0 : i32
    %scan3A_4 = arith.constant 315 : i32
    %scan3A_5 = arith.addi %scan3A_3, %scan3A_4 : i32
    %scan3A_6 = arith.constant 1 : i32
    scf.for %scan3A_8 = %scan3A_3 to %scan3A_5 step %scan3A_6  : i32 {
      %mul3A_9 = arith.constant 16 : i32
      %mul3A_10 = arith.muli %scan3A_8, %mul3A_9 : i32
      %get3A = arith.index_cast %mul3A_10 : i32 to index
      %get3A_11 = tpu.vector_load %arg8[%get3A] {strides = array<i32>} : memref<5040xi32, #tpu.memory_space<vmem>>, vector<16xi32>,
      %get3A_12 = arith.index_cast %mul3A_10 : i32 to index
      %get3A_13 = tpu.vector_load %arg9[%get3A_12] {strides = array<i32>} : memref<5040xi32, #tpu.memory_space<vmem>>, vector<16xi32>,
      %mul3A_14 = arith.constant 2 : i32
      %mul3A_15 = vector.broadcast %mul3A_14 : i32 to vector<16xi32>
      %mul3A_16 = arith.muli %get3A_11, %mul3A_15 : vector<16xi32>
      %gather3A = tpu.vector_load_idx %arg7[%mul3A_16] : memref<20000xf32, #tpu.memory_space<vmem>>[vector<16xi32>], vector<16xf32>,
      %mul3A_17 = arith.constant 2 : i32
      %mul3A_18 = vector.broadcast %mul3A_17 : i32 to vector<16xi32>
      %mul3A_19 = arith.muli %get3A_13, %mul3A_18 : vector<16xi32>
      %add3A_20 = arith.constant 1 : i32
      %add3A_21 = vector.broadcast %add3A_20 : i32 to vector<16xi32>
      %add3A_22 = arith.addi %mul3A_19, %add3A_21 : vector<16xi32>
      %gather3A_23 = tpu.vector_load_idx %arg7[%add3A_22] : memref<20000xf32, #tpu.memory_space<vmem>>[vector<16xi32>], vector<16xf32>,
      %add3A_24 = arith.addf %gather3A, %gather3A_23 : vector<16xf32>
      %get3A_25 = arith.index_cast %mul3A_10 : i32 to index
      %get3A_26 = tpu.vector_load %arg10[%get3A_25] {strides = array<i32>} : memref<5040xf32, #tpu.memory_space<vmem>>, vector<16xf32>,
      %add3A_27 = arith.addf %add3A_24, %get3A_26 : vector<16xf32>
      %swap3A = arith.index_cast %mul3A_10 : i32 to index
      %swap3A_28 = tpu.vector_load %arg11[%swap3A] {strides = array<i32>} : memref<5040xf32, #tpu.memory_space<vmem>>, vector<16xf32>,
      tpu.vector_store %arg11[%swap3A], %add3A_27 {strides = array<i32>} : memref<5040xf32, #tpu.memory_space<vmem>>, vector<16xf32>,
    }
    %scan3A_7 = arith.constant 315 : i32
    "tpu.region"() ({
      %run_scoped3A = tpu.sem_alloc : memref<!tpu.dma_semaphore, #tpu.memory_space<semaphore_mem>>
      %dma_start3A = tpu.memref_slice %arg6[%mul3A_2] : memref<161280xf32, #tpu.memory_space<hbm>> -> memref<5040xf32, #tpu.memory_space<hbm>>
      %dma_start3A_8 = tpu.memref_slice %arg6[%mul3A_2] : memref<161280xf32, #tpu.memory_space<hbm>> -> memref<5040xf32, #tpu.memory_space<hbm>>
      tpu.enqueue_dma source(%arg11 : memref<5040xf32, #tpu.memory_space<vmem>>) target(%dma_start3A_8 : memref<5040xf32, #tpu.memory_space<hbm>>) target_semaphore(%run_scoped3A : memref<!tpu.dma_semaphore, #tpu.memory_space<semaphore_mem>>)
      %dma_wait3A = tpu.memref_slice %arg6[%mul3A_2] : memref<161280xf32, #tpu.memory_space<hbm>> -> memref<5040xf32, #tpu.memory_space<hbm>>
      %dma_wait3A_9 = tpu.memref_slice %arg6[%mul3A_2] : memref<161280xf32, #tpu.memory_space<hbm>> -> memref<5040xf32, #tpu.memory_space<hbm>>
      tpu.wait_dma2 semaphore(%run_scoped3A : memref<!tpu.dma_semaphore, #tpu.memory_space<semaphore_mem>>) src(%arg11 : memref<5040xf32, #tpu.memory_space<vmem>>) dst(%dma_wait3A_9 : memref<5040xf32, #tpu.memory_space<hbm>>)
      tpu.yield
    }) : () -> ()
    return
  }
}

module attributes {stable_mosaic.version = 14 : i64} {
  func.func @_edge_scores_body(%arg0: i32, %arg1: memref<1x2000x256xf32, #tpu.memory_space<vmem>>, %arg2: memref<1x2000x256xf32, #tpu.memory_space<vmem>>, %arg3: memref<1x2000x256xf32, #tpu.memory_space<vmem>>, %arg4: memref<1x2000x256xf32, #tpu.memory_space<vmem>>, %arg5: memref<256x1xf32, #tpu.memory_space<vmem>>, %arg6: memref<1x1xf32, #tpu.memory_space<vmem>>, %arg7: memref<2000x1xf32, #tpu.memory_space<vmem>>, %arg8: memref<2000x1xf32, #tpu.memory_space<vmem>>, %arg9: memref<2000x1xf32, #tpu.memory_space<vmem>>, %arg10: memref<2000x1xf32, #tpu.memory_space<vmem>>) attributes {dimension_semantics = [#tpu.dimension_semantics<arbitrary>], iteration_bounds = array<i64: 20>, scalar_prefetch = 0 : i64, scratch_operands = 0 : i64, tpu.core_type = #tpu.core_type<tc>, window_params = [{transform_indices = @transform_0, window_bounds = array<i64: 1, 2000, 256>}, {transform_indices = @transform_1, window_bounds = array<i64: 1, 2000, 256>}, {transform_indices = @transform_2, window_bounds = array<i64: 1, 2000, 256>}, {transform_indices = @transform_3, window_bounds = array<i64: 1, 2000, 256>}, {pipeline_mode = #tpu.pipeline_mode<synchronous>, transform_indices = @transform_4, window_bounds = array<i64: 256, 1>}, {pipeline_mode = #tpu.pipeline_mode<synchronous>, transform_indices = @transform_5, window_bounds = array<i64: 1, 1>}, {transform_indices = @transform_6, window_bounds = array<i64: 2000, 1>}, {transform_indices = @transform_7, window_bounds = array<i64: 2000, 1>}, {transform_indices = @transform_8, window_bounds = array<i64: 2000, 1>}, {transform_indices = @transform_9, window_bounds = array<i64: 2000, 1>}]} {
    %get3A = arith.constant 0 : index
    %get3A_0 = arith.constant 0 : index
    %get3A_1 = vector.load %arg5[%get3A, %get3A_0] : memref<256x1xf32, #tpu.memory_space<vmem>>, vector<256x1xf32>
    %get3A_2 = arith.constant 0 : index
    %get3A_3 = arith.constant 0 : index
    %get3A_4 = vector.load %arg6[%get3A_2, %get3A_3] : memref<1x1xf32, #tpu.memory_space<vmem>>, vector<1x1xf32>
    %get3A_5 = arith.constant 0 : index
    %get3A_6 = arith.constant 0 : index
    %get3A_7 = arith.constant 0 : index
    %get3A_8 = vector.load %arg1[%get3A_5, %get3A_6, %get3A_7] : memref<1x2000x256xf32, #tpu.memory_space<vmem>>, vector<1x2000x256xf32>
    %get3A_9 = vector.shape_cast %get3A_8 : vector<1x2000x256xf32> to vector<2000x256xf32>
    %dot_general3A = arith.constant dense<0.000000e+00> : vector<2000x1xf32>
    %dot_general3A_10 = tpu.matmul %get3A_9, %get3A_1, %dot_general3A {dimension_numbers = #tpu.dot_dimension_numbers<[1], [0], [0], [1], [0, 0, 1, 1], [], []>, transpose_lhs_hint = false} : vector<2000x256xf32>, vector<256x1xf32>, vector<2000x1xf32> -> vector<2000x1xf32>
    %add3A = vector.broadcast %get3A_4 : vector<1x1xf32> to vector<2000x1xf32>
    %add3A_11 = arith.addf %dot_general3A_10, %add3A : vector<2000x1xf32>
    %swap3A = arith.constant 0 : index
    %swap3A_12 = arith.constant 0 : index
    %swap3A_13 = vector.load %arg7[%swap3A, %swap3A_12] : memref<2000x1xf32, #tpu.memory_space<vmem>>, vector<2000x1xf32>
    tpu.vector_store %arg7[%swap3A, %swap3A_12], %add3A_11 {strides = array<i32>} : memref<2000x1xf32, #tpu.memory_space<vmem>>, vector<2000x1xf32>,
    %get3A_14 = arith.constant 0 : index
    %get3A_15 = arith.constant 0 : index
    %get3A_16 = arith.constant 0 : index
    %get3A_17 = vector.load %arg2[%get3A_14, %get3A_15, %get3A_16] : memref<1x2000x256xf32, #tpu.memory_space<vmem>>, vector<1x2000x256xf32>
    %get3A_18 = vector.shape_cast %get3A_17 : vector<1x2000x256xf32> to vector<2000x256xf32>
    %dot_general3A_19 = arith.constant dense<0.000000e+00> : vector<2000x1xf32>
    %dot_general3A_20 = tpu.matmul %get3A_18, %get3A_1, %dot_general3A_19 {dimension_numbers = #tpu.dot_dimension_numbers<[1], [0], [0], [1], [0, 0, 1, 1], [], []>, transpose_lhs_hint = false} : vector<2000x256xf32>, vector<256x1xf32>, vector<2000x1xf32> -> vector<2000x1xf32>
    %add3A_21 = vector.broadcast %get3A_4 : vector<1x1xf32> to vector<2000x1xf32>
    %add3A_22 = arith.addf %dot_general3A_20, %add3A_21 : vector<2000x1xf32>
    %swap3A_23 = arith.constant 0 : index
    %swap3A_24 = arith.constant 0 : index
    %swap3A_25 = vector.load %arg8[%swap3A_23, %swap3A_24] : memref<2000x1xf32, #tpu.memory_space<vmem>>, vector<2000x1xf32>
    tpu.vector_store %arg8[%swap3A_23, %swap3A_24], %add3A_22 {strides = array<i32>} : memref<2000x1xf32, #tpu.memory_space<vmem>>, vector<2000x1xf32>,
    %get3A_26 = arith.constant 0 : index
    %get3A_27 = arith.constant 0 : index
    %get3A_28 = arith.constant 0 : index
    %get3A_29 = vector.load %arg3[%get3A_26, %get3A_27, %get3A_28] : memref<1x2000x256xf32, #tpu.memory_space<vmem>>, vector<1x2000x256xf32>
    %get3A_30 = vector.shape_cast %get3A_29 : vector<1x2000x256xf32> to vector<2000x256xf32>
    %dot_general3A_31 = arith.constant dense<0.000000e+00> : vector<2000x1xf32>
    %dot_general3A_32 = tpu.matmul %get3A_30, %get3A_1, %dot_general3A_31 {dimension_numbers = #tpu.dot_dimension_numbers<[1], [0], [0], [1], [0, 0, 1, 1], [], []>, transpose_lhs_hint = false} : vector<2000x256xf32>, vector<256x1xf32>, vector<2000x1xf32> -> vector<2000x1xf32>
    %add3A_33 = vector.broadcast %get3A_4 : vector<1x1xf32> to vector<2000x1xf32>
    %add3A_34 = arith.addf %dot_general3A_32, %add3A_33 : vector<2000x1xf32>
    %swap3A_35 = arith.constant 0 : index
    %swap3A_36 = arith.constant 0 : index
    %swap3A_37 = vector.load %arg9[%swap3A_35, %swap3A_36] : memref<2000x1xf32, #tpu.memory_space<vmem>>, vector<2000x1xf32>
    tpu.vector_store %arg9[%swap3A_35, %swap3A_36], %add3A_34 {strides = array<i32>} : memref<2000x1xf32, #tpu.memory_space<vmem>>, vector<2000x1xf32>,
    %get3A_38 = arith.constant 0 : index
    %get3A_39 = arith.constant 0 : index
    %get3A_40 = arith.constant 0 : index
    %get3A_41 = vector.load %arg4[%get3A_38, %get3A_39, %get3A_40] : memref<1x2000x256xf32, #tpu.memory_space<vmem>>, vector<1x2000x256xf32>
    %get3A_42 = vector.shape_cast %get3A_41 : vector<1x2000x256xf32> to vector<2000x256xf32>
    %dot_general3A_43 = arith.constant dense<0.000000e+00> : vector<2000x1xf32>
    %dot_general3A_44 = tpu.matmul %get3A_42, %get3A_1, %dot_general3A_43 {dimension_numbers = #tpu.dot_dimension_numbers<[1], [0], [0], [1], [0, 0, 1, 1], [], []>, transpose_lhs_hint = false} : vector<2000x256xf32>, vector<256x1xf32>, vector<2000x1xf32> -> vector<2000x1xf32>
    %add3A_45 = vector.broadcast %get3A_4 : vector<1x1xf32> to vector<2000x1xf32>
    %add3A_46 = arith.addf %dot_general3A_44, %add3A_45 : vector<2000x1xf32>
    %swap3A_47 = arith.constant 0 : index
    %swap3A_48 = arith.constant 0 : index
    %swap3A_49 = vector.load %arg10[%swap3A_47, %swap3A_48] : memref<2000x1xf32, #tpu.memory_space<vmem>>, vector<2000x1xf32>
    tpu.vector_store %arg10[%swap3A_47, %swap3A_48], %add3A_46 {strides = array<i32>} : memref<2000x1xf32, #tpu.memory_space<vmem>>, vector<2000x1xf32>,
    return
  }
  func.func @transform_0(%arg0: i32) -> (i32, i32, i32) {
    %c0_i32 = arith.constant 0 : i32
    %c0_i32_0 = arith.constant 0 : i32
    %c0_i32_1 = arith.constant 0 : i32
    return %c0_i32, %arg0, %c0_i32_0 : i32, i32, i32
  }
  func.func @transform_1(%arg0: i32) -> (i32, i32, i32) {
    %c1_i32 = arith.constant 1 : i32
    %c0_i32 = arith.constant 0 : i32
    %c0_i32_0 = arith.constant 0 : i32
    return %c1_i32, %arg0, %c0_i32 : i32, i32, i32
  }
  func.func @transform_2(%arg0: i32) -> (i32, i32, i32) {
    %c2_i32 = arith.constant 2 : i32
    %c0_i32 = arith.constant 0 : i32
    %c0_i32_0 = arith.constant 0 : i32
    return %c2_i32, %arg0, %c0_i32 : i32, i32, i32
  }
  func.func @transform_3(%arg0: i32) -> (i32, i32, i32) {
    %c3_i32 = arith.constant 3 : i32
    %c0_i32 = arith.constant 0 : i32
    %c0_i32_0 = arith.constant 0 : i32
    return %c3_i32, %arg0, %c0_i32 : i32, i32, i32
  }
  func.func @transform_4(%arg0: i32) -> (i32, i32) {
    %c0_i32 = arith.constant 0 : i32
    %c0_i32_0 = arith.constant 0 : i32
    %c0_i32_1 = arith.constant 0 : i32
    return %c0_i32, %c0_i32_0 : i32, i32
  }
  func.func @transform_5(%arg0: i32) -> (i32, i32) {
    %c0_i32 = arith.constant 0 : i32
    %c0_i32_0 = arith.constant 0 : i32
    %c0_i32_1 = arith.constant 0 : i32
    return %c0_i32, %c0_i32_0 : i32, i32
  }
  func.func @transform_6(%arg0: i32) -> (i32, i32) {
    %c0_i32 = arith.constant 0 : i32
    %c0_i32_0 = arith.constant 0 : i32
    return %arg0, %c0_i32 : i32, i32
  }
  func.func @transform_7(%arg0: i32) -> (i32, i32) {
    %c0_i32 = arith.constant 0 : i32
    %c0_i32_0 = arith.constant 0 : i32
    return %arg0, %c0_i32 : i32, i32
  }
  func.func @transform_8(%arg0: i32) -> (i32, i32) {
    %c0_i32 = arith.constant 0 : i32
    %c0_i32_0 = arith.constant 0 : i32
    return %arg0, %c0_i32 : i32, i32
  }
  func.func @transform_9(%arg0: i32) -> (i32, i32) {
    %c0_i32 = arith.constant 0 : i32
    %c0_i32_0 = arith.constant 0 : i32
    return %arg0, %c0_i32 : i32, i32
  }
}

module attributes {stable_mosaic.version = 14 : i64} {
  func.func @_node_scores_body(%arg0: i32, %arg1: memref<2000x256xf32, #tpu.memory_space<vmem>>, %arg2: memref<256x2xf32, #tpu.memory_space<vmem>>, %arg3: memref<2000x2xf32, #tpu.memory_space<vmem>>) attributes {dimension_semantics = [#tpu.dimension_semantics<arbitrary>], iteration_bounds = array<i64: 5>, scalar_prefetch = 0 : i64, scratch_operands = 0 : i64, tpu.core_type = #tpu.core_type<tc>, window_params = [{transform_indices = @transform_0, window_bounds = array<i64: 2000, 256>}, {pipeline_mode = #tpu.pipeline_mode<synchronous>, transform_indices = @transform_1, window_bounds = array<i64: 256, 2>}, {transform_indices = @transform_2, window_bounds = array<i64: 2000, 2>}]} {
    %get3A = arith.constant 0 : index
    %get3A_0 = arith.constant 0 : index
    %get3A_1 = vector.load %arg1[%get3A, %get3A_0] : memref<2000x256xf32, #tpu.memory_space<vmem>>, vector<2000x256xf32>
    %get3A_2 = arith.constant 0 : index
    %get3A_3 = arith.constant 0 : index
    %get3A_4 = vector.load %arg2[%get3A_2, %get3A_3] : memref<256x2xf32, #tpu.memory_space<vmem>>, vector<256x2xf32>
    %dot_general3A = arith.constant dense<0.000000e+00> : vector<2000x2xf32>
    %dot_general3A_5 = tpu.matmul %get3A_1, %get3A_4, %dot_general3A {dimension_numbers = #tpu.dot_dimension_numbers<[1], [0], [0], [1], [0, 0, 1, 1], [], []>, transpose_lhs_hint = false} : vector<2000x256xf32>, vector<256x2xf32>, vector<2000x2xf32> -> vector<2000x2xf32>
    %swap3A = arith.constant 0 : index
    %swap3A_6 = arith.constant 0 : index
    %swap3A_7 = vector.load %arg3[%swap3A, %swap3A_6] : memref<2000x2xf32, #tpu.memory_space<vmem>>, vector<2000x2xf32>
    tpu.vector_store %arg3[%swap3A, %swap3A_6], %dot_general3A_5 {strides = array<i32>} : memref<2000x2xf32, #tpu.memory_space<vmem>>, vector<2000x2xf32>,
    return
  }
  func.func @transform_0(%arg0: i32) -> (i32, i32) {
    %c0_i32 = arith.constant 0 : i32
    %c0_i32_0 = arith.constant 0 : i32
    return %arg0, %c0_i32 : i32, i32
  }
  func.func @transform_1(%arg0: i32) -> (i32, i32) {
    %c0_i32 = arith.constant 0 : i32
    %c0_i32_0 = arith.constant 0 : i32
    %c0_i32_1 = arith.constant 0 : i32
    return %c0_i32, %c0_i32_0 : i32, i32
  }
  func.func @transform_2(%arg0: i32) -> (i32, i32) {
    %c0_i32 = arith.constant 0 : i32
    %c0_i32_0 = arith.constant 0 : i32
    return %arg0, %c0_i32 : i32, i32
  }
}

</mosaic_0001>

<sc_bundles>
// kernel: kernel.5.cloned.1.call-start
scs
__scs_entry_jumppad:
0x0: {  	(pc) =	sbr.rel $0x88, $3  }
0x1: {  	(tag) =	ssettag $0x0;
	lr =	simm.s32 $0x1  }
0x2: {  	[smem:$0x3F9C] =	sst lr;
	_ =	strace $0xD0000000  }
0x3: {  	_ = 	snop  }
0x4: {  	_ = 	snop  }
0x5: {  	_ = 	snop  }
0x6: {  	_ = 	snop  }
0x7: {  	_ = 	snop  }
__scs_overlays_trampoline_lowered:
0x8: {  	[smem:$0x3FAB] =	sst s0  }
0x9: {  	[smem:$0x3FAC] =	sst s1  }
0xa: {  	[smem:$0x3FAD] =	sst s2  }
0xb: {  	[smem:$0x3FAE] =	sst s3  }
0xc: {  	[smem:$0x3FAF] =	sst s4  }
0xd: {  	[smem:$0x3FB0] =	sst s5  }
0xe: {  	[smem:$0x3FB1] =	sst s6  }
0xf: {  	[smem:$0x3FB2] =	sst s7  }
0x10: {  	[smem:$0x3FB3] =	sst s8  }
0x11: {  	[smem:$0x3FB4] =	sst s9;
	s0 =	simm.s32 @!p0 $0x0  }
0x12: {  	s1 =	sld [smem:$0x3F9A];
	s0 =	simm.s32 @p0 $0x1  }
0x13: {  	[smem:$0x3FB5] =	sst s0;
	s0 =	simm.s32 @!p1 $0x0  }
0x14: {  	s2 =	sld [smem:$0x3F99];
	s0 =	simm.s32 @p1 $0x1  }
0x15: {  	[smem:$0x3FB6] =	sst s0;
	s0 =	simm.s32 @!p2 $0x0  }
0x16: {  	s3 =	sld [smem:$0x3FDB];
	s0 =	simm.s32 @p2 $0x1  }
0x17: {  	s4 =	simm.s32 $0x1BF5;
	[smem:$0x3FB8] =	sst s0  }
0x18: {  	s0 =	sld [smem:$0x3F9B];
	_ =	swait.ge [sflag:s4], $0x0  }
0x19: {  	s7 =	sld [smem:$0x3F9C]  }
0x1a: {  	s8 =	sadd.s32 $0xFFFFE003, lr  }
0x1b: {  	s9 =	sadd.s32 $0xFFFFFEF7, lr;
	s5 =	simm.s32 $0xFFFFFFFF;
	p2 =	slt.u32 s8, $0xFFFFF086  }
0x1c: {  	p1 =	slt.u32 s9, $0xF7A;
	s5 =	simm.s32 @!p2 $0x0  }
0x1d: {  	s5 =	simm.s32 @p1 $0x1;
	p0 =	seq.s32 s7, s2  }
0x1e: {  	s7 =	smul.u32 @!p0 $0xF7A, s2;
	p2 =	seq.s32 @!p0 s5, $0x0  }
0x1f: {  	s9 =	smul.u32 $0xF7A, s1;
	s8 =	simm.s32 @!p0 $0x1BF5;
	p2 =	por !p2, p0  }
0x20: {  	[sflag:s8] =	ssyncset.s32 @!p0 $0xFFFFF086;
	s6 =	sadd.s32 @!p0 s3, s7;
	s7 =	simm.s32 @!p0 $0x108  }
0x21: {  	s3 =	sadd.s32 s3, s9;
	s6 =	sadd.s32 @!p0 $0x88, s6;
	s7 =	simm.s32 @p2 $0x1082  }
0x22: {  	[simem:s7], [sflag:s8] =	dma.local @!p0 [hbm:s6], $0xF7A  }
0x23: {  	s9 =	sor.u32 $0xD0000000, s2;
	s6 =	simm.s32 $0x108;
	_ =	swait.ge @!p0 [sflag:s8], $0x0  }
0x24: {  	s3 =	sadd.s32 $0x88, s3;
	s6 =	simm.s32 @!p1 $0x1082;
	[sflag:s4] =	ssyncset.s32 $0xFFFFF086  }
0x25: {  	[simem:s6], [sflag:s4] =	dma.local [hbm:s3], $0xF7A  }
0x26: {  	[smem:$0x3F9C] =	sst s1;
	(tag) =	ssettag s2;
	_ =	strace s9  }
0x27: {  	s1 =	sld [smem:$0x3FAC]  }
0x28: {  	s2 =	sld [smem:$0x3FAD]  }
0x29: {  	s4 =	sld [smem:$0x3FAF]  }
0x2a: {  	p0 =	seq.s32 s5, $0x0;
	s5 =	sld [smem:$0x3FB0]  }
0x2b: {  	s6 =	sld [smem:$0x3FB1]  }
0x2c: {  	s7 =	sld [smem:$0x3FB2]  }
0x2d: {  	s3 =	simm.s32 $0x108;
	s8 =	sld [smem:$0x3FB3]  }
0x2e: {  	s3 =	simm.s32 @!p0 $0x1082;
	s9 =	sld [smem:$0x3FB4]  }
0x2f: {  	lr =	sadd.s32 s0, s3;
	s0 =	sld [smem:$0x3FAB]  }
0x30: {  	s3 =	sld [smem:$0x3FAE]  }
0x31: {  	[smem:$0x3FB7] =	sst s10  }
0x32: {  	s10 =	sld [smem:$0x3FB5];
	_ =	sdelay $0x3  }
0x33: {  	p0 =	seq.s32 s10, $0x1;
	s10 =	sld [smem:$0x3FB7];
	_ =	sdelay $0x3  }
0x34: {  	[smem:$0x3FB7] =	sst s10  }
0x35: {  	s10 =	sld [smem:$0x3FB6];
	_ =	sdelay $0x3  }
0x36: {  	p1 =	seq.s32 s10, $0x1;
	s10 =	sld [smem:$0x3FB7];
	_ =	sdelay $0x3  }
0x37: {  	[smem:$0x3FB7] =	sst s10  }
0x38: {  	s10 =	sld [smem:$0x3FB8]  }
0x39: {  	_ = 	snop;
	(pc) =	sbr.ind lr, $3  }
0x3a: {  	_ = 	snop  }
0x3b: {  	_ = 	snop  }
0x3c: {  	p2 =	seq.s32 s10, $0x1;
	s10 =	sld [smem:$0x3FB7]  }
0x3d: {  	_ =	shalt  }
0x3e: {  	_ =	shalt  }
0x3f: {  	_ =	shalt  }
0x40: {  	_ =	shalt  }
0x41: {  	_ =	shalt  }
0x42: {  	_ =	shalt  }
0x43: {  	_ =	shalt  }
0x44: {  	_ =	shalt  }
0x45: {  	_ =	shalt  }
0x46: {  	_ =	shalt  }
0x47: {  	_ =	shalt  }
0x48: {  	_ =	shalt  }
0x49: {  	_ =	shalt  }
0x4a: {  	_ =	shalt  }
0x4b: {  	_ =	shalt  }
0x4c: {  	_ =	shalt  }
0x4d: {  	_ =	shalt  }
0x4e: {  	_ =	shalt  }
0x4f: {  	_ =	shalt  }
0x50: {  	_ =	shalt  }
0x51: {  	_ =	shalt  }
0x52: {  	_ =	shalt  }
0x53: {  	_ =	shalt  }
0x54: {  	_ =	shalt  }
0x55: {  	_ =	shalt  }
0x56: {  	_ =	shalt  }
0x57: {  	_ =	shalt  }
0x58: {  	_ =	shalt  }
0x59: {  	_ =	shalt  }
0x5a: {  	_ =	shalt  }
0x5b: {  	_ =	shalt  }
0x5c: {  	_ =	shalt  }
0x5d: {  	_ =	shalt  }
0x5e: {  	_ =	shalt  }
0x5f: {  	_ =	shalt  }
0x60: {  	_ =	shalt  }
0x61: {  	_ =	shalt  }
0x62: {  	_ =	shalt  }
0x63: {  	_ =	shalt  }
0x64: {  	_ =	shalt  }
0x65: {  	_ =	shalt  }
0x66: {  	_ =	shalt  }
0x67: {  	_ =	shalt  }
0x68: {  	_ =	shalt  }
0x69: {  	_ =	shalt  }
0x6a: {  	_ =	shalt  }
0x6b: {  	_ =	shalt  }
0x6c: {  	_ =	shalt  }
0x6d: {  	_ =	shalt  }
0x6e: {  	_ =	shalt  }
0x6f: {  	_ =	shalt  }
0x70: {  	_ =	shalt  }
0x71: {  	_ =	shalt  }
0x72: {  	_ =	shalt  }
0x73: {  	_ =	shalt  }
0x74: {  	_ =	shalt  }
0x75: {  	_ =	shalt  }
0x76: {  	_ =	shalt  }
0x77: {  	_ =	shalt  }
0x78: {  	_ =	shalt  }
0x79: {  	_ =	shalt  }
0x7a: {  	_ =	shalt  }
0x7b: {  	_ =	shalt  }
0x7c: {  	_ =	shalt  }
0x7d: {  	_ =	shalt  }
0x7e: {  	_ =	shalt  }
0x7f: {  	_ =	shalt  }
0x80: {  	_ =	shalt  }
0x81: {  	_ =	shalt  }
0x82: {  	_ =	shalt  }
0x83: {  	_ =	shalt  }
0x84: {  	_ =	shalt  }
0x85: {  	_ =	shalt  }
0x86: {  	_ =	shalt  }
0x87: {  	_ =	shalt  }
.Lfunc_end0:
.L_simem_size_0:
called_computation_lowered:
.L_overlay_start_0:
0x88: {  	s2 =	sld [smem:$0x3FD9]  }
0x89: {  	s3 =	sld [smem:$0x3FFE];
	_ =	sdelay $0x1  }
0x8a: {  	s1 =	srdreg.scid  }
0x8b: {  	s0 =	sand.u32 $0x1, s1  }
0x8c: {  	s17 =	sshll.u32 s0, $0xA;
	s2 =	sadd.s32 s3, s2  }
0x8d: {  	s2 =	sadd.s32 s2, s17  }
0x8e: {  	[smem:$0x3FC3] =	sst s2  }
0x8f: {  	_ = 	snop  }
0x90: {  	s2 =	sld [smem:$0x3FD0];
	(tm) =	ssettm $0x1  }
0x91: {  	s18 =	sld [smem:$0x3FFB];
	_ =	sdelay $0x3  }
0x92: {  	_ =	strace s18  }
0x93: {  	s3 =	sld [smem:$0x3FFC];
	_ =	sdelay $0x3  }
0x94: {  	_ =	strace s3  }
0x95: {  	s3 =	sld [smem:$0x3FFD];
	_ =	sdelay $0x3  }
0x96: {  	_ =	strace s3  }
0x97: {  	_ =	strace $0x8FFFFFFF  }
0x98: {  	s19 =	sld [smem:$0x3FDB];
	_ =	sdelay $0x1  }
0x99: {  	s4 =	simm.s32 $_scs_section_size  }
0x9a: {  	s5 =	simm.s32 $_size__tile_overlayer_lowered;
	s6 =	simm.s32 $_tile_overlayer_lowered  }
0x9b: {  	s22 =	simm.s32 $0x1BFF;
	s21 =	sshll.u32 s6, $0x1;
	s3 =	sadd.s32 s4, s19  }
0x9c: {  	s7 =	simm.s32 $0x0;
	s20 =	sshll.u32 s5, $0x1;
	s5 =	sadd.s32 s21, s3  }
0x9d: {  	[timem:s7], [sflag:s22] =	dma.local [hbm:s5], s20  }
0x9e: {  	_ =	swait.ge [sflag:s22], s20  }
0x9f: {  	s4 =	ssub.s32 $0x0, s20;
	[sflag:s22] =	ssyncset.done $0x0  }
0xa0: {  	[sflag:s22] =	ssyncadd.s32 s4;
	_ =	sdelay $0x1  }
0xa1: {  	s23 =	simm.s32 $0x1B8B  }
0xa2: {  	_ =	swait.ge [sflag:s23], $0x1  }
0xa3: {  	[sflag:s23] =	ssyncset.done $0x0  }
0xa4: {  	s25 =	simm.s32 $0x1B8E;
	s24 =	sld [smem:$0x3FFE];
	[sflag:s23] =	ssyncadd.s32 $0xFFFFFFFF  }
0xa5: {  	s26 =	simm.s32 $execute0_lowered;
	[smem:$0x3FD2] =	sst s25  }
0xa6: {  	s5 =	sshll.u32 s26, $0x1;
	_ =	strace $0x80000046;
	[dreg:$0x1] =	wrdreg $0xFFFFFFFF  }
0xa7: {  	s28 =	simm.s32 $_size_execute0_lowered;
	s3 =	sadd.s32 s3, s5;
	[dreg:$0x0] =	wrdreg $0x0  }
0xa8: {  	s5 =	sshll.u32 s28, $0x1;
	[dreg:$0x2] =	wrdreg s3  }
0xa9: {  	[dreg:$0x3] =	wrdreg s5  }
0xaa: {  	[dreg:$0x4] =	wrdreg $0xC0  }
0xab: {  	_ =	task [dreg:s7], $0x5FFFF  }
0xac: {  	[dreg:$0x1] =	wrdreg $0xFFFFFFFF  }
0xad: {  	[dreg:$0x0] =	wrdreg $0x60  }
0xae: {  	[dreg:$0x2] =	wrdreg s2  }
0xaf: {  	[dreg:$0x3] =	wrdreg s24  }
0xb0: {  	[dreg:$0x4] =	wrdreg $0x9  }
0xb1: {  	_ =	task.clear_ibuf [dreg:s7], $0x5FFFF;
	_ =	strace $0x90000046  }
0xb2: {  	s29 =	simm.s32 $0x9;
	_ =	strace $0x80000048  }
0xb3: {  	_ =	swait.ge [sflag:s29], $0x1  }
0xb4: {  	[sflag:s29] =	ssyncadd.s32 $0xFFFFFFFF  }
0xb5: {  	_ =	strace $0x90000048  }
0xb6: {  	_ =	sfence  }
0xb7: {  	s30 =	sld [smem:$0x0];
	_ =	sdelay $0x2  }
0xb8: {  	s31 =	sshll.u32 s1, $0xD;
	s1 =	sshrl.u32 s1, $0x2  }
0xb9: {  	s3 =	sand.u32 $0x4000, s31;
	s1 =	sadd.s32 s1, s30  }
0xba: {  	s0 =	sor.u32 s3, s0;
	s1 =	sshll.u32 s1, $0x11  }
0xbb: {  	s0 =	sor.u32 s1, s0  }
0xbc: {  	s0 =	sadd.s32 $0x8F2B, s0  }
0xbd: {  	[sflag:s0] =	ssyncadd.remote.s32 $0x1  }
0xbe: {  	_ =	sfence.sel $0xFFFF  }
0xbf: {  	[dreg:$0x0] =	wrdreg $0xFFFFFFFF;
	(pc) =	sbr.abs _section_cstart, $3  }
0xc0: {  	[dreg:$0x1] =	wrdreg $0xFFFFFFFF  }
0xc1: {  	_ =	task.clear_ibuf [dreg:s7], $0x2FFFF;
	_ =	strace $0x9FFFFFFF  }
0xc2: {  	(tm) =	ssettm $0x7FFFFFFF  }
0xc3: {  	_ =	shalt  }
tec
execute0_lowered:
.L_overlay_start_1:
0x0: {  	(tag) =	ssettag $0x1  }
0x1: {  	s1 =	srdreg.scid  }
0x2: {  	s0 =	stileid.u32;
	s2 =	rddreg [dreg:$0x0]  }
0x3: {  	s5 =	rddreg [dreg:$0x1];
	s3 =	simm.s32 $0x0;
	s9 =	simm.s32 $0x1  }
0x4: {  	s10 =	simm.s32 $0x4E80;
	s4 =	sand.u32 $0x1, s1;
	s30 =	sshll.u32 s0, $0x1  }
0x5: {  	s11 =	simm.s32 $0x6280;
	s12 =	simm.s32 $0x7680;
	s6 =	sor.u32 s4, s30  }
0x6: {  	s13 =	simm.s32 $0x8A80;
	s4 =	ssub.s32 $0x2, s4;
	s6 =	smul.u32 $0x276, s6  }
0x7: {  	s14 =	simm.s32 $0x0;
	s1 =	rddreg [dreg:$0x2];
	s31 =	sshrl.u32 s4, $0x1  }
0x8: {  	[smem:$0x7FF] =	sst s3;
	s8 =	ssub.s32 s4, s31;
	s7 =	sadd.s32 s6, s5  }
0x9: {  	_ =	strace $0x80000047;
	s8 =	smax.u32 s8, $0x1;
	s4 =	sadd.s32 $0xE00, s7  }
0xa: {  	s5 =	sadd.s32 $0x5E00, s7;
	s6 =	sadd.s32 $0xAE00, s7;
	s7 =	sadd.s32 $0xFE00, s7  }
.LBB2_1:
0xb: {  	[tilespmem:s3], [sflag:$0x1] =	stream.linear.gather [hbm4b:s2+s3], $0x4E80, $0x38;
	[tilespmem:$0x9E80] =	vst v63  }
0xc: {  	_ =	swait.ge [sflag:s9], $0x4E80  }
0xd: {  	[sflag:s9] =	ssyncset.done $0x0  }
0xe: {  	[sflag:s9] =	ssyncadd.s32 $0xFFFFB180  }
0xf: {  	[tilespmem:s10], [sflag:$0x1] =	stream.linear.gather [hbm4b:s4+s3], $0x13B0, $0x38;
	[tilespmem:$0x9E80] =	vst v63  }
0x10: {  	_ =	swait.ge [sflag:s9], $0x13B0  }
0x11: {  	[sflag:s9] =	ssyncset.done $0x0  }
0x12: {  	[sflag:s9] =	ssyncadd.s32 $0xFFFFEC50  }
0x13: {  	[tilespmem:s11], [sflag:$0x1] =	stream.linear.gather [hbm4b:s5+s3], $0x13B0, $0x38;
	[tilespmem:$0x9E80] =	vst v63  }
0x14: {  	_ =	swait.ge [sflag:s9], $0x13B0  }
0x15: {  	[sflag:s9] =	ssyncset.done $0x0  }
0x16: {  	[sflag:s9] =	ssyncadd.s32 $0xFFFFEC50  }
0x17: {  	[tilespmem:s12], [sflag:$0x1] =	stream.linear.gather [hbm4b:s6+s3], $0x13B0, $0x38;
	[tilespmem:$0x9E80] =	vst v63  }
0x18: {  	_ =	swait.ge [sflag:s9], $0x13B0  }
0x19: {  	[sflag:s9] =	ssyncset.done $0x0  }
0x1a: {  	s16 =	simm.s32 $0x0;
	[sflag:s9] =	ssyncadd.s32 $0xFFFFEC50  }
0x1b: {  	v0 =	vld [tilespmem:s16+$0x6280];
	_ =	sdelay $0x1  }
0x1c: {  	v1 =	vld [tilespmem:s16+$0x4E80];
	_ =	sdelay $0x2  }
0x1d: {  	v0 =	vshll.u32 v0, $0x1  }
0x1e: {  	v2 =	vor.u32 $0x1, v0  }
0x1f: {  	v3 =	vshll.u32 v1, $0x1;
	_ =	sdelay $0x1  }
0x20: {  	s15 =	simm.s32 $0x10  }
0x21: {  	v0 =	vld [tilespmem:s15+$0x6280]  }
0x22: {  	v1 =	vld.idx.msk [tilespmem:v2+s3+$0x0], $0xffff  }
0x23: {  	s17 =	simm.s32 $0x80;
	v2 =	vld.idx.msk [tilespmem:v3+s3+$0x0], $0xffff  }
.LBB2_2:
0x24: {  	p0 =	sne.s32 s17, $0x4E80  }
0x25: {  	v3 =	vld [tilespmem:s15+$0x4E80]  }
0x26: {  	v4 =	vld [tilespmem:s16+$0x7680];
	_ =	sdelay $0x1  }
0x27: {  	v0 =	vshll.u32 v0, $0x1  }
0x28: {  	v5 =	vor.u32 $0x1, v0;
	v0 =	vadd.f32 v1, v2  }
0x29: {  	v2 =	vshll.u32 v3, $0x1  }
.Ltmp0:
0x2a: {  	v1 =	vadd.f32 v4, v0;
	(pc) =	sbr.rel @p0 .LBB2_2-.Ltmp0, $4  }
0x2b: {  	s18 =	sshra.s32 s17, $0x2  }
0x2c: {  	v0 =	vld [tilespmem:s18+$0x6280];
	[tilespmem:s16+$0x8A80] =	vst v1;
	s16 =	smov.u32 s15;
	s15 =	smov.u32 s18  }
0x2d: {  	v1 =	vld.idx.msk [tilespmem:v5+s3+$0x0], $0xffff  }
0x2e: {  	s17 =	sadd.s32 $0x40, s17;
	v2 =	vld.idx.msk [tilespmem:v2+s3+$0x0], $0xffff  }
0x2f: {  	v3 =	vld [tilespmem:s15+$0x4E80]  }
0x30: {  	v4 =	vld [tilespmem:s16+$0x7680];
	_ =	sdelay $0x1  }
0x31: {  	v0 =	vshll.u32 v0, $0x1  }
0x32: {  	v0 =	vor.u32 $0x1, v0;
	v1 =	vadd.f32 v1, v2  }
0x33: {  	v62 =	vshll.u32 v3, $0x1  }
0x34: {  	v1 =	vadd.f32 v4, v1;
	_ =	sdelay $0x1  }
0x35: {  	[tilespmem:s16+$0x8A80] =	vst v1  }
0x36: {  	v0 =	vld.idx.msk [tilespmem:v0+s3+$0x0], $0xffff  }
0x37: {  	v1 =	vld.idx.msk [tilespmem:v62+s3+$0x0], $0xffff;
	_ =	sdelay $0x1  }
0x38: {  	v63 =	vld [tilespmem:s15+$0x7680];
	_ =	sdelay $0x2  }
0x39: {  	v0 =	vadd.f32 v0, v1;
	_ =	sdelay $0x1  }
0x3a: {  	s14 =	sadd.s32 $0x1, s14;
	v0 =	vadd.f32 v63, v0  }
0x3b: {  	p0 =	sne.s32 s14, s8  }
.Ltmp1:
0x3c: {  	[tilespmem:s15+$0x8A80] =	vst v0;
	(pc) =	sbr.rel @p0 .LBB2_1-.Ltmp1, $4  }
0x3d: {  	[hbm4b:s7+s3] =	stream.linear.scatter [tilespmem:s13], [sflag:$0x1], $0x13B0, $0x38;
	[tilespmem:$0x9E80] =	vst v63  }
0x3e: {  	_ =	swait.ge [sflag:s9], $0x13B0  }
0x3f: {  	[sflag:s9] =	ssyncset.done $0x0  }
0x40: {  	[sflag:s9] =	ssyncadd.s32 $0xFFFFEC50  }
0x41: {  	_ =	sfence.sel $0x180000  }
0x42: {  	[bflag:$0x0] =	sbarrier.arrive $0xFFFF  }
0x43: {  	p0 =	sne.s32 s0, $0x0;
	_ =	strace $0x90000047  }
0x44: {  	s0 =	sadd.s32 @!p0 $0x100000, s1;
	[bflag:$0x2] =	sbarrier.arrive $0xFFFF  }
0x45: {  	[sflag:s0] =	ssyncadd.tile.s32 @!p0 $0x1;
	_ =	shalt  }
.Lfunc_end2:
_tile_overlayer_lowered:
.L_overlay_start_2:
0x46: {  	(tag) =	ssettag $0x2  }
0x47: {  	s0 =	rddreg [dreg:$0x0];
	s2 =	stileid.u32  }
0x48: {  	s1 =	rddreg [dreg:$0x1];
	p0 =	sne.s32 s2, $0x0  }
0x49: {  	s3 =	rddreg [dreg:$0x2];
	[bflag:$0x3] =	sbarrier.arrive $0xFFFF;
	s2 =	simm.s32 @!p0 $0x1C01  }
0x4a: {  	[timem:s3], [sflag:s2] =	dma.local @!p0 [hbm:s0], s1  }
0x4b: {  	s0 =	simm.s32 @!p0 $0x1  }
0x4c: {  	_ =	swait.ge @!p0 [sflag:s0], s1  }
0x4d: {  	s1 =	ssub.s32 @!p0 $0x0, s1;
	[sflag:s0] =	ssyncset.done @!p0 $0x0  }
0x4e: {  	[sflag:s0] =	ssyncadd.s32 @!p0 s1  }
0x4f: {  	[bflag:$0x3] =	sbarrier.arrive $0xFFFF  }
0x50: {  	_ =	shalt  }

</sc_bundles>
